<compile_context>
chip_gen: v7x
topology: tpu7x:2x2x1
jax: 0.10.2.dev20260603
libtpu: 0.0.44.dev20260713+nightly
codegen_flags: <defaults>
</compile_context>

<pallas_src>
import functools

import jax
import jax.numpy as jnp
from jax import lax
from jax.experimental import pallas as pl
from jax.experimental.pallas import tpu as pltpu
from jax.experimental.pallas import tpu_sc as plsc

HIDDEN = 768
E = 8
TOP_K = 2
NEG = -1e30

BATCH = 4
SEQ = 8192
N_TOK = BATCH * SEQ
NW = 32
CHUNK = N_TOK // NW
L = 16
STEPS = CHUNK // L



def _logits_kernel(x_ref, w_ref, lg_ref, aux_ref, acc_ref, *, n_tokens):
    i = pl.program_id(0)
    nblk = pl.num_programs(0)

    x = x_ref[...]
    w = w_ref[...]
    logits = jax.lax.dot_general(
        w, x, (((1,), (1,)), ((), ())),
        preferred_element_type=jnp.float32)
    lg_ref[...] = logits

    iota = lax.broadcasted_iota(jnp.int32, logits.shape, 0)
    m1 = jnp.max(logits, axis=0, keepdims=True)
    idx1 = jnp.min(jnp.where(logits == m1, iota, E), axis=0, keepdims=True)

    ex = jnp.exp(logits - m1)
    probs = ex / jnp.sum(ex, axis=0, keepdims=True)
    psum = jnp.sum(probs, axis=1, keepdims=True)
    csum = jnp.sum((iota == idx1).astype(jnp.float32),
                   axis=1, keepdims=True)

    @pl.when(i == 0)
    def _init():
        acc_ref[...] = jnp.zeros_like(acc_ref)

    acc_ref[:, 0:1] += psum
    acc_ref[:, 1:2] += csum

    @pl.when(i == nblk - 1)
    def _final():
        scale = E / float(n_tokens * n_tokens)
        aux_ref[...] = (scale * jnp.sum(acc_ref[:, 0:1] * acc_ref[:, 1:2])
                        ).reshape(1, 1)


def _tc_logits(xf, W, n_tokens, blk=1024):
    body = functools.partial(_logits_kernel, n_tokens=n_tokens)
    return pl.pallas_call(
        body,
        grid=(n_tokens // blk,),
        in_specs=[
            pl.BlockSpec((blk, HIDDEN), lambda i: (i, 0)),
            pl.BlockSpec((E, HIDDEN), lambda i: (0, 0)),
        ],
        out_specs=[
            pl.BlockSpec((E, blk), lambda i: (0, i)),
            pl.BlockSpec((1, 1), lambda i: (0, 0)),
        ],
        out_shape=[
            jax.ShapeDtypeStruct((E, n_tokens), jnp.float32),
            jax.ShapeDtypeStruct((1, 1), jnp.float32),
        ],
        scratch_shapes=[pltpu.VMEM((E, 2), jnp.float32)],
    )(xf, W)



GRP = N_TOK // 128
GPW = GRP // NW


def _sc_router_body(lg_hbm, rw_hbm, se_hbm, lg_v, rw_b, se_b):
    c = lax.axis_index("c")
    s = lax.axis_index("s")
    wid = s * 2 + c
    base = wid * CHUNK
    pltpu.sync_copy(lg_hbm.at[:, pl.ds(base, CHUNK)], lg_v)

    def step(j, carry):
        sl = pl.ds(j * L, L)
        l = [lg_v[e, sl] for e in range(E)]
        m1 = l[0]
        i1 = jnp.zeros((L,), jnp.int32)
        for e in range(1, E):
            b = l[e] > m1
            m1 = jnp.where(b, l[e], m1)
            i1 = jnp.where(b, e, i1)
        m2 = jnp.full((L,), NEG, jnp.float32)
        i2 = jnp.zeros((L,), jnp.int32)
        for e in range(E):
            b = (l[e] > m2) & (i1 != e)
            m2 = jnp.where(b, l[e], m2)
            i2 = jnp.where(b, e, i2)
        e2 = jnp.exp(m2 - m1)
        d = 1.0 + e2
        g = j // (128 // L)
        r = pl.ds((j % (128 // L)) * L, L)
        rw_b[g, 0, r] = 1.0 / d
        rw_b[g, 1, r] = e2 / d
        se_b[g, 0, r] = i1
        se_b[g, 1, r] = i2
        return carry

    lax.fori_loop(0, STEPS, step, 0)
    pltpu.sync_copy(rw_b, rw_hbm.at[pl.ds(wid * GPW, GPW)])
    pltpu.sync_copy(se_b, se_hbm.at[pl.ds(wid * GPW, GPW)])


@functools.cache
def _sc_router():
    return pl.kernel(
        _sc_router_body,
        out_type=[
            jax.ShapeDtypeStruct((GRP, TOP_K, 128), jnp.float32),
            jax.ShapeDtypeStruct((GRP, TOP_K, 128), jnp.int32),
        ],
        mesh=plsc.VectorSubcoreMesh(core_axis_name="c", subcore_axis_name="s",
                                    num_cores=2, num_subcores=16),
        scratch_types=[
            pltpu.VMEM((E, CHUNK), jnp.float32),
            pltpu.VMEM((GPW, TOP_K, 128), jnp.float32),
            pltpu.VMEM((GPW, TOP_K, 128), jnp.int32),
        ],
        compiler_params=pltpu.CompilerParams(needs_layout_passes=False),
    )


def kernel(x, W):
    B, S, H = x.shape
    n_tokens = B * S
    xf = x.reshape(n_tokens, H)
    lg, aux = _tc_logits(xf, W, n_tokens)
    rw3, se3 = _sc_router()(lg)
    rw = rw3.transpose(0, 2, 1).reshape(B, S, TOP_K)
    se = se3.transpose(0, 2, 1).reshape(B, S, TOP_K)
    return (rw, se, aux[0, 0])

# --- scband reference (transcript-rebuilt; emitter-appended) ---
"""Pipeline reference for scband-top-krouter-76304388981208 (READ-ONLY COPY).

The authoritative reference and input builder live on the scoring server;
editing this copy changes nothing except your own understanding.
"""

import jax, jax.numpy as jnp
import numpy as np

HIDDEN = 768
NUM_EXPERTS = 8
TOP_K = 2


def setup_inputs(seed: int = 0) -> dict:
    key = jax.random.key(seed)
    k1, k2 = jax.random.split(key)
    x = jax.random.normal(k1, (4, 8192, HIDDEN), dtype=jnp.float32)
    # nn.Linear(hidden_size, num_experts, bias=False) -> weight shape [num_experts, hidden_size]
    W = jax.random.normal(k2, (NUM_EXPERTS, HIDDEN), dtype=jnp.float32) * (1.0 / np.sqrt(HIDDEN))
    return {"x": x, "W": W}


def reference(x, W):
    batch_size, seq_len, hidden_size = x.shape
    num_experts = W.shape[0]
    x_flat = x.reshape(-1, hidden_size)
    logits = x_flat @ W.T  # [num_tokens, num_experts]
    # eval mode: no jitter noise
    # top-k gating
    top_k_logits, selected_experts = jax.lax.top_k(logits, TOP_K)
    routing_weights = jax.nn.softmax(top_k_logits, axis=-1)
    # load balancing loss
    probs = jax.nn.softmax(logits, axis=-1).mean(axis=0)
    top_expert = jnp.argmax(logits, axis=-1)
    expert_mask = jax.nn.one_hot(top_expert, num_experts, dtype=jnp.float32)
    fraction = expert_mask.mean(axis=0)
    aux_loss = num_experts * jnp.sum(probs * fraction)
    routing_weights = routing_weights.reshape(batch_size, seq_len, TOP_K)
    selected_experts = selected_experts.reshape(batch_size, seq_len, TOP_K)
    return routing_weights, selected_experts, aux_loss

if __name__ == "__main__":
    import jax
    _d = setup_inputs()
    print(jax.jit(kernel)(*tuple(_d.values())))

</pallas_src>

<mosaic_0001>
#map = affine_map<(d0, d1) -> (0, 0)>
#map1 = affine_map<(d0, d1) -> (0, 0, 0)>
module attributes {stable_mosaic.version = 14 : i64} {
  func.func @_sc_router_body(%arg0: i32, %arg1: i32, %arg2: memref<8x32768xf32, #tpu.memory_space<hbm>>, %arg3: memref<256x2x128xf32, #tpu.memory_space<hbm>>, %arg4: memref<256x2x128xi32, #tpu.memory_space<hbm>>, %arg5: memref<8x1024xf32, #tpu.memory_space<vmem>>, %arg6: memref<8x2x128xf32, #tpu.memory_space<vmem>>, %arg7: memref<8x2x128xi32, #tpu.memory_space<vmem>>) attributes {dimension_semantics = [#tpu.dimension_semantics<core_parallel>, #tpu.dimension_semantics<subcore_parallel>], iteration_bounds = array<i64: 2, 16>, scalar_prefetch = 0 : i64, scratch_operands = 3 : i64, tpu.core_type = #tpu.core_type<sc_vector_subcore>, window_params = [{transform_indices = #map}, {transform_indices = #map1}, {transform_indices = #map1}]} {
    %mul3A = arith.constant 2 : i32
    %mul3A_0 = arith.muli %arg1, %mul3A : i32
    %add3A = arith.addi %mul3A_0, %arg0 : i32
    %mul3A_1 = arith.constant 1024 : i32
    %mul3A_2 = arith.muli %add3A, %mul3A_1 : i32
    "tpu.region"() ({
      %run_scoped3A = tpu.sem_alloc : memref<!tpu.dma_semaphore, #tpu.memory_space<semaphore_mem>>
      %dma_start3A = arith.constant 0 : i32
      %dma_start3A_12 = tpu.memref_slice %arg2[%dma_start3A, %mul3A_2] : memref<8x32768xf32, #tpu.memory_space<hbm>> -> memref<8x1024xf32, #tpu.memory_space<hbm>>
      %dma_start3A_13 = arith.constant 0 : i32
      %dma_start3A_14 = tpu.memref_slice %arg2[%dma_start3A_13, %mul3A_2] : memref<8x32768xf32, #tpu.memory_space<hbm>> -> memref<8x1024xf32, #tpu.memory_space<hbm>>
      tpu.enqueue_dma source(%dma_start3A_14 : memref<8x1024xf32, #tpu.memory_space<hbm>>) target(%arg5 : memref<8x1024xf32, #tpu.memory_space<vmem>>) target_semaphore(%run_scoped3A : memref<!tpu.dma_semaphore, #tpu.memory_space<semaphore_mem>>)
      %dma_wait3A = arith.constant 0 : i32
      %dma_wait3A_15 = tpu.memref_slice %arg2[%dma_wait3A, %mul3A_2] : memref<8x32768xf32, #tpu.memory_space<hbm>> -> memref<8x1024xf32, #tpu.memory_space<hbm>>
      %dma_wait3A_16 = arith.constant 0 : i32
      %dma_wait3A_17 = tpu.memref_slice %arg2[%dma_wait3A_16, %mul3A_2] : memref<8x32768xf32, #tpu.memory_space<hbm>> -> memref<8x1024xf32, #tpu.memory_space<hbm>>
      tpu.wait_dma2 semaphore(%run_scoped3A : memref<!tpu.dma_semaphore, #tpu.memory_space<semaphore_mem>>) src(%dma_wait3A_17 : memref<8x1024xf32, #tpu.memory_space<hbm>>) dst(%arg5 : memref<8x1024xf32, #tpu.memory_space<vmem>>)
      tpu.yield
    }) : () -> ()
    %scan3A = arith.constant 0 : i32
    %scan3A_3 = arith.constant 0 : i32
    %scan3A_4 = arith.constant 64 : i32
    %scan3A_5 = arith.addi %scan3A_3, %scan3A_4 : i32
    %scan3A_6 = arith.constant 1 : i32
    scf.for %scan3A_12 = %scan3A_3 to %scan3A_5 step %scan3A_6  : i32 {
      %mul3A_13 = arith.constant 16 : i32
      %mul3A_14 = arith.muli %scan3A_12, %mul3A_13 : i32
      %get3A = arith.constant 0 : i32
      %get3A_15 = arith.index_cast %get3A : i32 to index
      %get3A_16 = arith.index_cast %mul3A_14 : i32 to index
      %get3A_17 = tpu.vector_load %arg5[%get3A_15, %get3A_16] {strides = array<i32>} : memref<8x1024xf32, #tpu.memory_space<vmem>>, vector<16xf32>,
      %get3A_18 = arith.constant 1 : i32
      %get3A_19 = arith.index_cast %get3A_18 : i32 to index
      %get3A_20 = arith.index_cast %mul3A_14 : i32 to index
      %get3A_21 = tpu.vector_load %arg5[%get3A_19, %get3A_20] {strides = array<i32>} : memref<8x1024xf32, #tpu.memory_space<vmem>>, vector<16xf32>,
      %get3A_22 = arith.constant 2 : i32
      %get3A_23 = arith.index_cast %get3A_22 : i32 to index
      %get3A_24 = arith.index_cast %mul3A_14 : i32 to index
      %get3A_25 = tpu.vector_load %arg5[%get3A_23, %get3A_24] {strides = array<i32>} : memref<8x1024xf32, #tpu.memory_space<vmem>>, vector<16xf32>,
      %get3A_26 = arith.constant 3 : i32
      %get3A_27 = arith.index_cast %get3A_26 : i32 to index
      %get3A_28 = arith.index_cast %mul3A_14 : i32 to index
      %get3A_29 = tpu.vector_load %arg5[%get3A_27, %get3A_28] {strides = array<i32>} : memref<8x1024xf32, #tpu.memory_space<vmem>>, vector<16xf32>,
      %get3A_30 = arith.constant 4 : i32
      %get3A_31 = arith.index_cast %get3A_30 : i32 to index
      %get3A_32 = arith.index_cast %mul3A_14 : i32 to index
      %get3A_33 = tpu.vector_load %arg5[%get3A_31, %get3A_32] {strides = array<i32>} : memref<8x1024xf32, #tpu.memory_space<vmem>>, vector<16xf32>,
      %get3A_34 = arith.constant 5 : i32
      %get3A_35 = arith.index_cast %get3A_34 : i32 to index
      %get3A_36 = arith.index_cast %mul3A_14 : i32 to index
      %get3A_37 = tpu.vector_load %arg5[%get3A_35, %get3A_36] {strides = array<i32>} : memref<8x1024xf32, #tpu.memory_space<vmem>>, vector<16xf32>,
      %get3A_38 = arith.constant 6 : i32
      %get3A_39 = arith.index_cast %get3A_38 : i32 to index
      %get3A_40 = arith.index_cast %mul3A_14 : i32 to index
      %get3A_41 = tpu.vector_load %arg5[%get3A_39, %get3A_40] {strides = array<i32>} : memref<8x1024xf32, #tpu.memory_space<vmem>>, vector<16xf32>,
      %get3A_42 = arith.constant 7 : i32
      %get3A_43 = arith.index_cast %get3A_42 : i32 to index
      %get3A_44 = arith.index_cast %mul3A_14 : i32 to index
      %get3A_45 = tpu.vector_load %arg5[%get3A_43, %get3A_44] {strides = array<i32>} : memref<8x1024xf32, #tpu.memory_space<vmem>>, vector<16xf32>,
      %broadcast_in_dim3A = arith.constant 0 : i32
      %broadcast_in_dim3A_46 = vector.broadcast %broadcast_in_dim3A : i32 to vector<16xi32>
      %gt3A = arith.cmpf ogt, %get3A_21, %get3A_17 : vector<16xf32>
      %select_n3A = arith.select %gt3A, %get3A_21, %get3A_17 : vector<16xi1>, vector<16xf32>
      %jit3A = arith.constant 1 : i32
      %broadcast_in_dim3A_47 = vector.broadcast %jit3A : i32 to vector<16xi32>
      %select_n3A_48 = arith.select %gt3A, %broadcast_in_dim3A_47, %broadcast_in_dim3A_46 : vector<16xi1>, vector<16xi32>
      %gt3A_49 = arith.cmpf ogt, %get3A_25, %select_n3A : vector<16xf32>
      %select_n3A_50 = arith.select %gt3A_49, %get3A_25, %select_n3A : vector<16xi1>, vector<16xf32>
      %jit3A_51 = arith.constant 2 : i32
      %broadcast_in_dim3A_52 = vector.broadcast %jit3A_51 : i32 to vector<16xi32>
      %select_n3A_53 = arith.select %gt3A_49, %broadcast_in_dim3A_52, %select_n3A_48 : vector<16xi1>, vector<16xi32>
      %gt3A_54 = arith.cmpf ogt, %get3A_29, %select_n3A_50 : vector<16xf32>
      %select_n3A_55 = arith.select %gt3A_54, %get3A_29, %select_n3A_50 : vector<16xi1>, vector<16xf32>
      %jit3A_56 = arith.constant 3 : i32
      %broadcast_in_dim3A_57 = vector.broadcast %jit3A_56 : i32 to vector<16xi32>
      %select_n3A_58 = arith.select %gt3A_54, %broadcast_in_dim3A_57, %select_n3A_53 : vector<16xi1>, vector<16xi32>
      %gt3A_59 = arith.cmpf ogt, %get3A_33, %select_n3A_55 : vector<16xf32>
      %select_n3A_60 = arith.select %gt3A_59, %get3A_33, %select_n3A_55 : vector<16xi1>, vector<16xf32>
      %jit3A_61 = arith.constant 4 : i32
      %broadcast_in_dim3A_62 = vector.broadcast %jit3A_61 : i32 to vector<16xi32>
      %select_n3A_63 = arith.select %gt3A_59, %broadcast_in_dim3A_62, %select_n3A_58 : vector<16xi1>, vector<16xi32>
      %gt3A_64 = arith.cmpf ogt, %get3A_37, %select_n3A_60 : vector<16xf32>
      %select_n3A_65 = arith.select %gt3A_64, %get3A_37, %select_n3A_60 : vector<16xi1>, vector<16xf32>
      %jit3A_66 = arith.constant 5 : i32
      %broadcast_in_dim3A_67 = vector.broadcast %jit3A_66 : i32 to vector<16xi32>
      %select_n3A_68 = arith.select %gt3A_64, %broadcast_in_dim3A_67, %select_n3A_63 : vector<16xi1>, vector<16xi32>
      %gt3A_69 = arith.cmpf ogt, %get3A_41, %select_n3A_65 : vector<16xf32>
      %select_n3A_70 = arith.select %gt3A_69, %get3A_41, %select_n3A_65 : vector<16xi1>, vector<16xf32>
      %jit3A_71 = arith.constant 6 : i32
      %broadcast_in_dim3A_72 = vector.broadcast %jit3A_71 : i32 to vector<16xi32>
      %select_n3A_73 = arith.select %gt3A_69, %broadcast_in_dim3A_72, %select_n3A_68 : vector<16xi1>, vector<16xi32>
      %gt3A_74 = arith.cmpf ogt, %get3A_45, %select_n3A_70 : vector<16xf32>
      %select_n3A_75 = arith.select %gt3A_74, %get3A_45, %select_n3A_70 : vector<16xi1>, vector<16xf32>
      %jit3A_76 = arith.constant 7 : i32
      %broadcast_in_dim3A_77 = vector.broadcast %jit3A_76 : i32 to vector<16xi32>
      %select_n3A_78 = arith.select %gt3A_74, %broadcast_in_dim3A_77, %select_n3A_73 : vector<16xi1>, vector<16xi32>
      %broadcast_in_dim3A_79 = arith.constant -1.000000e+30 : f32
      %broadcast_in_dim3A_80 = vector.broadcast %broadcast_in_dim3A_79 : f32 to vector<16xf32>
      %broadcast_in_dim3A_81 = arith.constant 0 : i32
      %broadcast_in_dim3A_82 = vector.broadcast %broadcast_in_dim3A_81 : i32 to vector<16xi32>
      %gt3A_83 = arith.cmpf ogt, %get3A_17, %broadcast_in_dim3A_80 : vector<16xf32>
      %ne3A = arith.constant 0 : i32
      %ne3A_84 = vector.broadcast %ne3A : i32 to vector<16xi32>
      %ne3A_85 = arith.cmpi ne, %select_n3A_78, %ne3A_84 : vector<16xi32>
      %and3A = arith.andi %gt3A_83, %ne3A_85 : vector<16xi1>
      %select_n3A_86 = arith.select %and3A, %get3A_17, %broadcast_in_dim3A_80 : vector<16xi1>, vector<16xf32>
      %jit3A_87 = arith.constant 0 : i32
      %broadcast_in_dim3A_88 = vector.broadcast %jit3A_87 : i32 to vector<16xi32>
      %select_n3A_89 = arith.select %and3A, %broadcast_in_dim3A_88, %broadcast_in_dim3A_82 : vector<16xi1>, vector<16xi32>
      %gt3A_90 = arith.cmpf ogt, %get3A_21, %select_n3A_86 : vector<16xf32>
      %ne3A_91 = arith.constant 1 : i32
      %ne3A_92 = vector.broadcast %ne3A_91 : i32 to vector<16xi32>
      %ne3A_93 = arith.cmpi ne, %select_n3A_78, %ne3A_92 : vector<16xi32>
      %and3A_94 = arith.andi %gt3A_90, %ne3A_93 : vector<16xi1>
      %select_n3A_95 = arith.select %and3A_94, %get3A_21, %select_n3A_86 : vector<16xi1>, vector<16xf32>
      %jit3A_96 = arith.constant 1 : i32
      %broadcast_in_dim3A_97 = vector.broadcast %jit3A_96 : i32 to vector<16xi32>
      %select_n3A_98 = arith.select %and3A_94, %broadcast_in_dim3A_97, %select_n3A_89 : vector<16xi1>, vector<16xi32>
      %gt3A_99 = arith.cmpf ogt, %get3A_25, %select_n3A_95 : vector<16xf32>
      %ne3A_100 = arith.constant 2 : i32
      %ne3A_101 = vector.broadcast %ne3A_100 : i32 to vector<16xi32>
      %ne3A_102 = arith.cmpi ne, %select_n3A_78, %ne3A_101 : vector<16xi32>
      %and3A_103 = arith.andi %gt3A_99, %ne3A_102 : vector<16xi1>
      %select_n3A_104 = arith.select %and3A_103, %get3A_25, %select_n3A_95 : vector<16xi1>, vector<16xf32>
      %jit3A_105 = arith.constant 2 : i32
      %broadcast_in_dim3A_106 = vector.broadcast %jit3A_105 : i32 to vector<16xi32>
      %select_n3A_107 = arith.select %and3A_103, %broadcast_in_dim3A_106, %select_n3A_98 : vector<16xi1>, vector<16xi32>
      %gt3A_108 = arith.cmpf ogt, %get3A_29, %select_n3A_104 : vector<16xf32>
      %ne3A_109 = arith.constant 3 : i32
      %ne3A_110 = vector.broadcast %ne3A_109 : i32 to vector<16xi32>
      %ne3A_111 = arith.cmpi ne, %select_n3A_78, %ne3A_110 : vector<16xi32>
      %and3A_112 = arith.andi %gt3A_108, %ne3A_111 : vector<16xi1>
      %select_n3A_113 = arith.select %and3A_112, %get3A_29, %select_n3A_104 : vector<16xi1>, vector<16xf32>
      %jit3A_114 = arith.constant 3 : i32
      %broadcast_in_dim3A_115 = vector.broadcast %jit3A_114 : i32 to vector<16xi32>
      %select_n3A_116 = arith.select %and3A_112, %broadcast_in_dim3A_115, %select_n3A_107 : vector<16xi1>, vector<16xi32>
      %gt3A_117 = arith.cmpf ogt, %get3A_33, %select_n3A_113 : vector<16xf32>
      %ne3A_118 = arith.constant 4 : i32
      %ne3A_119 = vector.broadcast %ne3A_118 : i32 to vector<16xi32>
      %ne3A_120 = arith.cmpi ne, %select_n3A_78, %ne3A_119 : vector<16xi32>
      %and3A_121 = arith.andi %gt3A_117, %ne3A_120 : vector<16xi1>
      %select_n3A_122 = arith.select %and3A_121, %get3A_33, %select_n3A_113 : vector<16xi1>, vector<16xf32>
      %jit3A_123 = arith.constant 4 : i32
      %broadcast_in_dim3A_124 = vector.broadcast %jit3A_123 : i32 to vector<16xi32>
      %select_n3A_125 = arith.select %and3A_121, %broadcast_in_dim3A_124, %select_n3A_116 : vector<16xi1>, vector<16xi32>
      %gt3A_126 = arith.cmpf ogt, %get3A_37, %select_n3A_122 : vector<16xf32>
      %ne3A_127 = arith.constant 5 : i32
      %ne3A_128 = vector.broadcast %ne3A_127 : i32 to vector<16xi32>
      %ne3A_129 = arith.cmpi ne, %select_n3A_78, %ne3A_128 : vector<16xi32>
      %and3A_130 = arith.andi %gt3A_126, %ne3A_129 : vector<16xi1>
      %select_n3A_131 = arith.select %and3A_130, %get3A_37, %select_n3A_122 : vector<16xi1>, vector<16xf32>
      %jit3A_132 = arith.constant 5 : i32
      %broadcast_in_dim3A_133 = vector.broadcast %jit3A_132 : i32 to vector<16xi32>
      %select_n3A_134 = arith.select %and3A_130, %broadcast_in_dim3A_133, %select_n3A_125 : vector<16xi1>, vector<16xi32>
      %gt3A_135 = arith.cmpf ogt, %get3A_41, %select_n3A_131 : vector<16xf32>
      %ne3A_136 = arith.constant 6 : i32
      %ne3A_137 = vector.broadcast %ne3A_136 : i32 to vector<16xi32>
      %ne3A_138 = arith.cmpi ne, %select_n3A_78, %ne3A_137 : vector<16xi32>
      %and3A_139 = arith.andi %gt3A_135, %ne3A_138 : vector<16xi1>
      %select_n3A_140 = arith.select %and3A_139, %get3A_41, %select_n3A_131 : vector<16xi1>, vector<16xf32>
      %jit3A_141 = arith.constant 6 : i32
      %broadcast_in_dim3A_142 = vector.broadcast %jit3A_141 : i32 to vector<16xi32>
      %select_n3A_143 = arith.select %and3A_139, %broadcast_in_dim3A_142, %select_n3A_134 : vector<16xi1>, vector<16xi32>
      %gt3A_144 = arith.cmpf ogt, %get3A_45, %select_n3A_140 : vector<16xf32>
      %ne3A_145 = arith.constant 7 : i32
      %ne3A_146 = vector.broadcast %ne3A_145 : i32 to vector<16xi32>
      %ne3A_147 = arith.cmpi ne, %select_n3A_78, %ne3A_146 : vector<16xi32>
      %and3A_148 = arith.andi %gt3A_144, %ne3A_147 : vector<16xi1>
      %select_n3A_149 = arith.select %and3A_148, %get3A_45, %select_n3A_140 : vector<16xi1>, vector<16xf32>
      %jit3A_150 = arith.constant 7 : i32
      %broadcast_in_dim3A_151 = vector.broadcast %jit3A_150 : i32 to vector<16xi32>
      %select_n3A_152 = arith.select %and3A_148, %broadcast_in_dim3A_151, %select_n3A_143 : vector<16xi1>, vector<16xi32>
      %sub3A = arith.subf %select_n3A_149, %select_n3A_75 : vector<16xf32>
      %exp3A = math.exp %sub3A : vector<16xf32>
      %add3A_153 = arith.constant 1.000000e+00 : f32
      %add3A_154 = vector.broadcast %add3A_153 : f32 to vector<16xf32>
      %add3A_155 = arith.addf %add3A_154, %exp3A : vector<16xf32>
      %jit3A_156 = arith.constant 8 : i32
      %div3A = arith.divsi %scan3A_12, %jit3A_156 : i32
      %sign3A = arith.constant 0 : i32
      %sign3A_157 = arith.cmpi sgt, %scan3A_12, %sign3A : i32
      %sign3A_158 = arith.extui %sign3A_157 : i1 to i32
      %sign3A_159 = arith.constant 0 : i32
      %sign3A_160 = arith.cmpi slt, %scan3A_12, %sign3A_159 : i32
      %sign3A_161 = arith.extui %sign3A_160 : i1 to i32
      %sign3A_162 = arith.subi %sign3A_158, %sign3A_161 : i32
      %sign3A_163 = arith.constant 0 : i32
      %sign3A_164 = arith.cmpi sgt, %jit3A_156, %sign3A_163 : i32
      %sign3A_165 = arith.extui %sign3A_164 : i1 to i32
      %sign3A_166 = arith.constant 0 : i32
      %sign3A_167 = arith.cmpi slt, %jit3A_156, %sign3A_166 : i32
      %sign3A_168 = arith.extui %sign3A_167 : i1 to i32
      %sign3A_169 = arith.subi %sign3A_165, %sign3A_168 : i32
      %ne3A_170 = arith.cmpi ne, %sign3A_162, %sign3A_169 : i32
      %rem3A = arith.remsi %scan3A_12, %jit3A_156 : i32
      %ne3A_171 = arith.constant 0 : i32
      %ne3A_172 = arith.cmpi ne, %rem3A, %ne3A_171 : i32
      %and3A_173 = arith.andi %ne3A_170, %ne3A_172 : i1
      %sub3A_174 = arith.constant 1 : i32
      %sub3A_175 = arith.subi %div3A, %sub3A_174 : i32
      %select_n3A_176 = arith.select %and3A_173, %sub3A_175, %div3A : i32
      %jit3A_177 = arith.constant 8 : i32
      %eq3A = arith.constant 0 : i32
      %eq3A_178 = arith.cmpi eq, %jit3A_177, %eq3A : i32
      %jit3A_179 = arith.constant 1 : i32
      %select_n3A_180 = arith.select %eq3A_178, %jit3A_179, %jit3A_177 : i32
      %rem3A_181 = arith.remsi %scan3A_12, %select_n3A_180 : i32
      %ne3A_182 = arith.constant 0 : i32
      %ne3A_183 = arith.cmpi ne, %rem3A_181, %ne3A_182 : i32
      %lt3A = arith.constant 0 : i32
      %lt3A_184 = arith.cmpi slt, %rem3A_181, %lt3A : i32
      %lt3A_185 = arith.constant 0 : i32
      %lt3A_186 = arith.cmpi slt, %select_n3A_180, %lt3A_185 : i32
      %ne3A_187 = arith.xori %lt3A_184, %lt3A_186 : i1
      %and3A_188 = arith.andi %ne3A_187, %ne3A_183 : i1
      %add3A_189 = arith.addi %rem3A_181, %select_n3A_180 : i32
      %select_n3A_190 = arith.select %and3A_188, %add3A_189, %rem3A_181 : i32
      %mul3A_191 = arith.constant 16 : i32
      %mul3A_192 = arith.muli %select_n3A_190, %mul3A_191 : i32
      %div3A_193 = arith.constant 1.000000e+00 : f32
      %div3A_194 = vector.broadcast %div3A_193 : f32 to vector<16xf32>
      %div3A_195 = arith.divf %div3A_194, %add3A_155 : vector<16xf32>
      %swap3A = arith.constant 0 : i32
      %swap3A_196 = arith.index_cast %select_n3A_176 : i32 to index
      %swap3A_197 = arith.index_cast %swap3A : i32 to index
      %swap3A_198 = arith.index_cast %mul3A_192 : i32 to index
      %swap3A_199 = tpu.vector_load %arg6[%swap3A_196, %swap3A_197, %swap3A_198] {strides = array<i32>} : memref<8x2x128xf32, #tpu.memory_space<vmem>>, vector<16xf32>,
      tpu.vector_store %arg6[%swap3A_196, %swap3A_197, %swap3A_198], %div3A_195 {strides = array<i32>} : memref<8x2x128xf32, #tpu.memory_space<vmem>>, vector<16xf32>,
      %div3A_200 = arith.divf %exp3A, %add3A_155 : vector<16xf32>
      %swap3A_201 = arith.constant 1 : i32
      %swap3A_202 = arith.index_cast %select_n3A_176 : i32 to index
      %swap3A_203 = arith.index_cast %swap3A_201 : i32 to index
      %swap3A_204 = arith.index_cast %mul3A_192 : i32 to index
      %swap3A_205 = tpu.vector_load %arg6[%swap3A_202, %swap3A_203, %swap3A_204] {strides = array<i32>} : memref<8x2x128xf32, #tpu.memory_space<vmem>>, vector<16xf32>,
      tpu.vector_store %arg6[%swap3A_202, %swap3A_203, %swap3A_204], %div3A_200 {strides = array<i32>} : memref<8x2x128xf32, #tpu.memory_space<vmem>>, vector<16xf32>,
      %swap3A_206 = arith.constant 0 : i32
      %swap3A_207 = arith.index_cast %select_n3A_176 : i32 to index
      %swap3A_208 = arith.index_cast %swap3A_206 : i32 to index
      %swap3A_209 = arith.index_cast %mul3A_192 : i32 to index
      %swap3A_210 = tpu.vector_load %arg7[%swap3A_207, %swap3A_208, %swap3A_209] {strides = array<i32>} : memref<8x2x128xi32, #tpu.memory_space<vmem>>, vector<16xi32>,
      tpu.vector_store %arg7[%swap3A_207, %swap3A_208, %swap3A_209], %select_n3A_78 {strides = array<i32>} : memref<8x2x128xi32, #tpu.memory_space<vmem>>, vector<16xi32>,
      %swap3A_211 = arith.constant 1 : i32
      %swap3A_212 = arith.index_cast %select_n3A_176 : i32 to index
      %swap3A_213 = arith.index_cast %swap3A_211 : i32 to index
      %swap3A_214 = arith.index_cast %mul3A_192 : i32 to index
      %swap3A_215 = tpu.vector_load %arg7[%swap3A_212, %swap3A_213, %swap3A_214] {strides = array<i32>} : memref<8x2x128xi32, #tpu.memory_space<vmem>>, vector<16xi32>,
      tpu.vector_store %arg7[%swap3A_212, %swap3A_213, %swap3A_214], %select_n3A_152 {strides = array<i32>} : memref<8x2x128xi32, #tpu.memory_space<vmem>>, vector<16xi32>,
    }
    %scan3A_7 = arith.constant 64 : i32
    %mul3A_8 = arith.constant 8 : i32
    %mul3A_9 = arith.muli %add3A, %mul3A_8 : i32
    "tpu.region"() ({
      %run_scoped3A = tpu.sem_alloc : memref<!tpu.dma_semaphore, #tpu.memory_space<semaphore_mem>>
      %dma_start3A = arith.constant 0 : i32
      %dma_start3A_12 = arith.constant 0 : i32
      %dma_start3A_13 = tpu.memref_slice %arg3[%mul3A_9, %dma_start3A, %dma_start3A_12] : memref<256x2x128xf32, #tpu.memory_space<hbm>> -> memref<8x2x128xf32, #tpu.memory_space<hbm>>
      %dma_start3A_14 = arith.constant 0 : i32
      %dma_start3A_15 = arith.constant 0 : i32
      %dma_start3A_16 = tpu.memref_slice %arg3[%mul3A_9, %dma_start3A_14, %dma_start3A_15] : memref<256x2x128xf32, #tpu.memory_space<hbm>> -> memref<8x2x128xf32, #tpu.memory_space<hbm>>
      tpu.enqueue_dma source(%arg6 : memref<8x2x128xf32, #tpu.memory_space<vmem>>) target(%dma_start3A_16 : memref<8x2x128xf32, #tpu.memory_space<hbm>>) target_semaphore(%run_scoped3A : memref<!tpu.dma_semaphore, #tpu.memory_space<semaphore_mem>>)
      %dma_wait3A = arith.constant 0 : i32
      %dma_wait3A_17 = arith.constant 0 : i32
      %dma_wait3A_18 = tpu.memref_slice %arg3[%mul3A_9, %dma_wait3A, %dma_wait3A_17] : memref<256x2x128xf32, #tpu.memory_space<hbm>> -> memref<8x2x128xf32, #tpu.memory_space<hbm>>
      %dma_wait3A_19 = arith.constant 0 : i32
      %dma_wait3A_20 = arith.constant 0 : i32
      %dma_wait3A_21 = tpu.memref_slice %arg3[%mul3A_9, %dma_wait3A_19, %dma_wait3A_20] : memref<256x2x128xf32, #tpu.memory_space<hbm>> -> memref<8x2x128xf32, #tpu.memory_space<hbm>>
      tpu.wait_dma2 semaphore(%run_scoped3A : memref<!tpu.dma_semaphore, #tpu.memory_space<semaphore_mem>>) src(%arg6 : memref<8x2x128xf32, #tpu.memory_space<vmem>>) dst(%dma_wait3A_21 : memref<8x2x128xf32, #tpu.memory_space<hbm>>)
      tpu.yield
    }) : () -> ()
    %mul3A_10 = arith.constant 8 : i32
    %mul3A_11 = arith.muli %add3A, %mul3A_10 : i32
    "tpu.region"() ({
      %run_scoped3A = tpu.sem_alloc : memref<!tpu.dma_semaphore, #tpu.memory_space<semaphore_mem>>
      %dma_start3A = arith.constant 0 : i32
      %dma_start3A_12 = arith.constant 0 : i32
      %dma_start3A_13 = tpu.memref_slice %arg4[%mul3A_11, %dma_start3A, %dma_start3A_12] : memref<256x2x128xi32, #tpu.memory_space<hbm>> -> memref<8x2x128xi32, #tpu.memory_space<hbm>>
      %dma_start3A_14 = arith.constant 0 : i32
      %dma_start3A_15 = arith.constant 0 : i32
      %dma_start3A_16 = tpu.memref_slice %arg4[%mul3A_11, %dma_start3A_14, %dma_start3A_15] : memref<256x2x128xi32, #tpu.memory_space<hbm>> -> memref<8x2x128xi32, #tpu.memory_space<hbm>>
      tpu.enqueue_dma source(%arg7 : memref<8x2x128xi32, #tpu.memory_space<vmem>>) target(%dma_start3A_16 : memref<8x2x128xi32, #tpu.memory_space<hbm>>) target_semaphore(%run_scoped3A : memref<!tpu.dma_semaphore, #tpu.memory_space<semaphore_mem>>)
      %dma_wait3A = arith.constant 0 : i32
      %dma_wait3A_17 = arith.constant 0 : i32
      %dma_wait3A_18 = tpu.memref_slice %arg4[%mul3A_11, %dma_wait3A, %dma_wait3A_17] : memref<256x2x128xi32, #tpu.memory_space<hbm>> -> memref<8x2x128xi32, #tpu.memory_space<hbm>>
      %dma_wait3A_19 = arith.constant 0 : i32
      %dma_wait3A_20 = arith.constant 0 : i32
      %dma_wait3A_21 = tpu.memref_slice %arg4[%mul3A_11, %dma_wait3A_19, %dma_wait3A_20] : memref<256x2x128xi32, #tpu.memory_space<hbm>> -> memref<8x2x128xi32, #tpu.memory_space<hbm>>
      tpu.wait_dma2 semaphore(%run_scoped3A : memref<!tpu.dma_semaphore, #tpu.memory_space<semaphore_mem>>) src(%arg7 : memref<8x2x128xi32, #tpu.memory_space<vmem>>) dst(%dma_wait3A_21 : memref<8x2x128xi32, #tpu.memory_space<hbm>>)
      tpu.yield
    }) : () -> ()
    return
  }
}

module attributes {stable_mosaic.version = 14 : i64} {
  func.func @_logits_kernel(%arg0: i32, %arg1: memref<1024x768xf32, #tpu.memory_space<vmem>>, %arg2: memref<8x768xf32, #tpu.memory_space<vmem>>, %arg3: memref<8x1024xf32, #tpu.memory_space<vmem>>, %arg4: memref<1x1xf32, #tpu.memory_space<vmem>>, %arg5: memref<8x2xf32, #tpu.memory_space<vmem>>) attributes {dimension_semantics = [#tpu.dimension_semantics<arbitrary>], iteration_bounds = array<i64: 32>, scalar_prefetch = 0 : i64, scratch_operands = 1 : i64, tpu.core_type = #tpu.core_type<tc>, window_params = [{transform_indices = @transform_0, window_bounds = array<i64: 1024, 768>}, {pipeline_mode = #tpu.pipeline_mode<synchronous>, transform_indices = @transform_1, window_bounds = array<i64: 8, 768>}, {transform_indices = @transform_2, window_bounds = array<i64: 8, 1024>}, {pipeline_mode = #tpu.pipeline_mode<synchronous>, transform_indices = @transform_3, window_bounds = array<i64: 1, 1>}]} {
    %get3A = arith.constant 0 : index
    %get3A_0 = arith.constant 0 : index
    %get3A_1 = vector.load %arg1[%get3A, %get3A_0] : memref<1024x768xf32, #tpu.memory_space<vmem>>, vector<1024x768xf32>
    %get3A_2 = arith.constant 0 : index
    %get3A_3 = arith.constant 0 : index
    %get3A_4 = vector.load %arg2[%get3A_2, %get3A_3] : memref<8x768xf32, #tpu.memory_space<vmem>>, vector<8x768xf32>
    %dot_general3A = arith.constant dense<0.000000e+00> : vector<8x1024xf32>
    %dot_general3A_5 = tpu.matmul %get3A_4, %get3A_1, %dot_general3A {dimension_numbers = #tpu.dot_dimension_numbers<[1], [1], [0], [0], [0, 0, 1, 0], [], []>, transpose_lhs_hint = false} : vector<8x768xf32>, vector<1024x768xf32>, vector<8x1024xf32> -> vector<8x1024xf32>
    %swap3A = arith.constant 0 : index
    %swap3A_6 = arith.constant 0 : index
    %swap3A_7 = vector.load %arg3[%swap3A, %swap3A_6] : memref<8x1024xf32, #tpu.memory_space<vmem>>, vector<8x1024xf32>
    tpu.vector_store %arg3[%swap3A, %swap3A_6], %dot_general3A_5 {strides = array<i32>} : memref<8x1024xf32, #tpu.memory_space<vmem>>, vector<8x1024xf32>,
    %iota3A = tpu.iota {dimensions = array<i32: 0>} : vector<8x1024xi32>
    %reduce_max3A = arith.constant dense<0xFF800000> : vector<1024xf32>
    %reduce_max3A_8 = vector.multi_reduction <maximumf>, %dot_general3A_5, %reduce_max3A [0] : vector<8x1024xf32> to vector<1024xf32>
    %broadcast_in_dim3A = vector.shape_cast %reduce_max3A_8 : vector<1024xf32> to vector<1x1024xf32>
    %eq3A = vector.broadcast %broadcast_in_dim3A : vector<1x1024xf32> to vector<8x1024xf32>
    %eq3A_9 = arith.cmpf oeq, %dot_general3A_5, %eq3A : vector<8x1024xf32>
    %jit3A = arith.constant 8 : i32
    %broadcast_in_dim3A_10 = vector.broadcast %jit3A : i32 to vector<8x1024xi32>
    %select_n3A = arith.select %eq3A_9, %iota3A, %broadcast_in_dim3A_10 : vector<8x1024xi1>, vector<8x1024xi32>
    %reduce_min3A = arith.constant dense<2147483647> : vector<1024xi32>
    %reduce_min3A_11 = vector.multi_reduction <minsi>, %select_n3A, %reduce_min3A [0] : vector<8x1024xi32> to vector<1024xi32>
    %broadcast_in_dim3A_12 = vector.shape_cast %reduce_min3A_11 : vector<1024xi32> to vector<1x1024xi32>
    %sub3A = vector.broadcast %broadcast_in_dim3A : vector<1x1024xf32> to vector<8x1024xf32>
    %sub3A_13 = arith.subf %dot_general3A_5, %sub3A : vector<8x1024xf32>
    %exp3A = math.exp %sub3A_13 : vector<8x1024xf32>
    %reduce_sum3A = arith.constant dense<0.000000e+00> : vector<1024xf32>
    %reduce_sum3A_14 = vector.multi_reduction <add>, %exp3A, %reduce_sum3A [0] : vector<8x1024xf32> to vector<1024xf32>
    %broadcast_in_dim3A_15 = vector.shape_cast %reduce_sum3A_14 : vector<1024xf32> to vector<1x1024xf32>
    %div3A = vector.broadcast %broadcast_in_dim3A_15 : vector<1x1024xf32> to vector<8x1024xf32>
    %div3A_16 = arith.divf %exp3A, %div3A : vector<8x1024xf32>
    %reduce_sum3A_17 = arith.constant dense<0.000000e+00> : vector<8xf32>
    %reduce_sum3A_18 = vector.multi_reduction <add>, %div3A_16, %reduce_sum3A_17 [1] : vector<8x1024xf32> to vector<8xf32>
    %broadcast_in_dim3A_19 = vector.shape_cast %reduce_sum3A_18 : vector<8xf32> to vector<8x1xf32>
    %eq3A_20 = vector.broadcast %broadcast_in_dim3A_12 : vector<1x1024xi32> to vector<8x1024xi32>
    %eq3A_21 = arith.cmpi eq, %iota3A, %eq3A_20 : vector<8x1024xi32>
    %convert_element_type3A = arith.extui %eq3A_21 : vector<8x1024xi1> to vector<8x1024xi32>
    %convert_element_type3A_22 = arith.sitofp %convert_element_type3A : vector<8x1024xi32> to vector<8x1024xf32>
    %reduce_sum3A_23 = arith.constant dense<0.000000e+00> : vector<8xf32>
    %reduce_sum3A_24 = vector.multi_reduction <add>, %convert_element_type3A_22, %reduce_sum3A_23 [1] : vector<8x1024xf32> to vector<8xf32>
    %broadcast_in_dim3A_25 = vector.shape_cast %reduce_sum3A_24 : vector<8xf32> to vector<8x1xf32>
    %eq3A_26 = arith.constant 0 : i32
    %eq3A_27 = arith.cmpi eq, %arg0, %eq3A_26 : i32
    %convert_element_type3A_28 = arith.extui %eq3A_27 : i1 to i32
    %cond3A = arith.constant 0 : i32
    %cond3A_29 = arith.cmpi ne, %convert_element_type3A_28, %cond3A : i32
    scf.if %cond3A_29 {
      %broadcast_in_dim3A_48 = arith.constant 0.000000e+00 : f32
      %broadcast_in_dim3A_49 = vector.broadcast %broadcast_in_dim3A_48 : f32 to vector<8x2xf32>
      %swap3A_50 = arith.constant 0 : index
      %swap3A_51 = arith.constant 0 : index
      %swap3A_52 = vector.load %arg5[%swap3A_50, %swap3A_51] : memref<8x2xf32, #tpu.memory_space<vmem>>, vector<8x2xf32>
      tpu.vector_store %arg5[%swap3A_50, %swap3A_51], %broadcast_in_dim3A_49 {strides = array<i32>} : memref<8x2xf32, #tpu.memory_space<vmem>>, vector<8x2xf32>,
    } else {
    }
    %get3A_30 = arith.constant 0 : index
    %get3A_31 = arith.constant 0 : index
    %get3A_32 = vector.load %arg5[%get3A_30, %get3A_31] : memref<8x2xf32, #tpu.memory_space<vmem>>, vector<8x1xf32>
    %add3A = arith.addf %get3A_32, %broadcast_in_dim3A_19 : vector<8x1xf32>
    %swap3A_33 = arith.constant 0 : index
    %swap3A_34 = arith.constant 0 : index
    %swap3A_35 = vector.load %arg5[%swap3A_33, %swap3A_34] : memref<8x2xf32, #tpu.memory_space<vmem>>, vector<8x1xf32>
    tpu.vector_store %arg5[%swap3A_33, %swap3A_34], %add3A {strides = array<i32>} : memref<8x2xf32, #tpu.memory_space<vmem>>, vector<8x1xf32>,
    %get3A_36 = arith.constant 0 : index
    %get3A_37 = arith.constant 1 : index
    %get3A_38 = vector.load %arg5[%get3A_36, %get3A_37] : memref<8x2xf32, #tpu.memory_space<vmem>>, vector<8x1xf32>
    %add3A_39 = arith.addf %get3A_38, %broadcast_in_dim3A_25 : vector<8x1xf32>
    %swap3A_40 = arith.constant 0 : index
    %swap3A_41 = arith.constant 1 : index
    %swap3A_42 = vector.load %arg5[%swap3A_40, %swap3A_41] : memref<8x2xf32, #tpu.memory_space<vmem>>, vector<8x1xf32>
    tpu.vector_store %arg5[%swap3A_40, %swap3A_41], %add3A_39 {strides = array<i32>} : memref<8x2xf32, #tpu.memory_space<vmem>>, vector<8x1xf32>,
    %eq3A_43 = arith.constant 31 : i32
    %eq3A_44 = arith.cmpi eq, %arg0, %eq3A_43 : i32
    %convert_element_type3A_45 = arith.extui %eq3A_44 : i1 to i32
    %cond3A_46 = arith.constant 0 : i32
    %cond3A_47 = arith.cmpi ne, %convert_element_type3A_45, %cond3A_46 : i32
    scf.if %cond3A_47 {
      %get3A_48 = arith.constant 0 : index
      %get3A_49 = arith.constant 0 : index
      %get3A_50 = vector.load %arg5[%get3A_48, %get3A_49] : memref<8x2xf32, #tpu.memory_space<vmem>>, vector<8x1xf32>
      %get3A_51 = arith.constant 0 : index
      %get3A_52 = arith.constant 1 : index
      %get3A_53 = vector.load %arg5[%get3A_51, %get3A_52] : memref<8x2xf32, #tpu.memory_space<vmem>>, vector<8x1xf32>
      %mul3A = arith.mulf %get3A_50, %get3A_53 : vector<8x1xf32>
      %reduce_sum3A_54 = vector.shape_cast %mul3A : vector<8x1xf32> to vector<1x8x1xf32>
      %reduce_sum3A_55 = arith.constant dense<0.000000e+00> : vector<1xf32>
      %reduce_sum3A_56 = vector.multi_reduction <add>, %reduce_sum3A_54, %reduce_sum3A_55 [1, 2] : vector<1x8x1xf32> to vector<1xf32>
      %reduce_sum3A_57 = vector.shape_cast %reduce_sum3A_56 : vector<1xf32> to vector<1x1x1xf32>
      %reduce_sum3A_58 = vector.extract %reduce_sum3A_57[0, 0, 0] : f32 from vector<1x1x1xf32>
      %mul3A_59 = arith.constant 7.4505806E-9 : f32
      %mul3A_60 = arith.mulf %mul3A_59, %reduce_sum3A_58 : f32
      %reshape3A = vector.broadcast %mul3A_60 : f32 to vector<1x1xf32>
      %swap3A_61 = arith.constant 0 : index
      %swap3A_62 = arith.constant 0 : index
      %swap3A_63 = vector.load %arg4[%swap3A_61, %swap3A_62] : memref<1x1xf32, #tpu.memory_space<vmem>>, vector<1x1xf32>
      tpu.vector_store %arg4[%swap3A_61, %swap3A_62], %reshape3A {strides = array<i32>} : memref<1x1xf32, #tpu.memory_space<vmem>>, vector<1x1xf32>,
    } else {
    }
    return
  }
  func.func @transform_0(%arg0: i32) -> (i32, i32) {
    %c0_i32 = arith.constant 0 : i32
    %c0_i32_0 = arith.constant 0 : i32
    return %arg0, %c0_i32 : i32, i32
  }
  func.func @transform_1(%arg0: i32) -> (i32, i32) {
    %c0_i32 = arith.constant 0 : i32
    %c0_i32_0 = arith.constant 0 : i32
    %c0_i32_1 = arith.constant 0 : i32
    return %c0_i32, %c0_i32_0 : i32, i32
  }
  func.func @transform_2(%arg0: i32) -> (i32, i32) {
    %c0_i32 = arith.constant 0 : i32
    %c0_i32_0 = arith.constant 0 : i32
    return %c0_i32, %arg0 : i32, i32
  }
  func.func @transform_3(%arg0: i32) -> (i32, i32) {
    %c0_i32 = arith.constant 0 : i32
    %c0_i32_0 = arith.constant 0 : i32
    %c0_i32_1 = arith.constant 0 : i32
    return %c0_i32, %c0_i32_0 : i32, i32
  }
}

</mosaic_0001>

<sc_bundles>
// kernel: kernel.4.cloned.1.call-start
scs
__scs_entry_jumppad:
0x0: {  	(pc) =	sbr.rel $0x88, $3  }
0x1: {  	(tag) =	ssettag $0x0;
	lr =	simm.s32 $0x1  }
0x2: {  	[smem:$0x3F9F] =	sst lr;
	_ =	strace $0xD0000000  }
0x3: {  	_ = 	snop  }
0x4: {  	_ = 	snop  }
0x5: {  	_ = 	snop  }
0x6: {  	_ = 	snop  }
0x7: {  	_ = 	snop  }
__scs_overlays_trampoline_lowered:
0x8: {  	[smem:$0x3FAE] =	sst s0  }
0x9: {  	[smem:$0x3FAF] =	sst s1  }
0xa: {  	[smem:$0x3FB0] =	sst s2  }
0xb: {  	[smem:$0x3FB1] =	sst s3  }
0xc: {  	[smem:$0x3FB2] =	sst s4  }
0xd: {  	[smem:$0x3FB3] =	sst s5  }
0xe: {  	[smem:$0x3FB4] =	sst s6  }
0xf: {  	[smem:$0x3FB5] =	sst s7  }
0x10: {  	[smem:$0x3FB6] =	sst s8  }
0x11: {  	[smem:$0x3FB7] =	sst s9;
	s0 =	simm.s32 @!p0 $0x0  }
0x12: {  	s1 =	sld [smem:$0x3F9D];
	s0 =	simm.s32 @p0 $0x1  }
0x13: {  	[smem:$0x3FB8] =	sst s0;
	s0 =	simm.s32 @!p1 $0x0  }
0x14: {  	s2 =	sld [smem:$0x3F9C];
	s0 =	simm.s32 @p1 $0x1  }
0x15: {  	[smem:$0x3FB9] =	sst s0;
	s0 =	simm.s32 @!p2 $0x0  }
0x16: {  	s3 =	sld [smem:$0x3FDB];
	s0 =	simm.s32 @p2 $0x1  }
0x17: {  	s4 =	simm.s32 $0x1BF5;
	[smem:$0x3FBB] =	sst s0  }
0x18: {  	s0 =	sld [smem:$0x3F9E];
	_ =	swait.ge [sflag:s4], $0x0  }
0x19: {  	s7 =	sld [smem:$0x3F9F]  }
0x1a: {  	s8 =	sadd.s32 $0xFFFFE003, lr  }
0x1b: {  	s9 =	sadd.s32 $0xFFFFFEF7, lr;
	s5 =	simm.s32 $0xFFFFFFFF;
	p2 =	slt.u32 s8, $0xFFFFF086  }
0x1c: {  	p1 =	slt.u32 s9, $0xF7A;
	s5 =	simm.s32 @!p2 $0x0  }
0x1d: {  	s5 =	simm.s32 @p1 $0x1;
	p0 =	seq.s32 s7, s2  }
0x1e: {  	s7 =	smul.u32 @!p0 $0xF7A, s2;
	p2 =	seq.s32 @!p0 s5, $0x0  }
0x1f: {  	s9 =	smul.u32 $0xF7A, s1;
	s8 =	simm.s32 @!p0 $0x1BF5;
	p2 =	por !p2, p0  }
0x20: {  	[sflag:s8] =	ssyncset.s32 @!p0 $0xFFFFF086;
	s6 =	sadd.s32 @!p0 s3, s7;
	s7 =	simm.s32 @!p0 $0x108  }
0x21: {  	s3 =	sadd.s32 s3, s9;
	s6 =	sadd.s32 @!p0 $0x88, s6;
	s7 =	simm.s32 @p2 $0x1082  }
0x22: {  	[simem:s7], [sflag:s8] =	dma.local @!p0 [hbm:s6], $0xF7A  }
0x23: {  	s9 =	sor.u32 $0xD0000000, s2;
	s6 =	simm.s32 $0x108;
	_ =	swait.ge @!p0 [sflag:s8], $0x0  }
0x24: {  	s3 =	sadd.s32 $0x88, s3;
	s6 =	simm.s32 @!p1 $0x1082;
	[sflag:s4] =	ssyncset.s32 $0xFFFFF086  }
0x25: {  	[simem:s6], [sflag:s4] =	dma.local [hbm:s3], $0xF7A  }
0x26: {  	[smem:$0x3F9F] =	sst s1;
	(tag) =	ssettag s2;
	_ =	strace s9  }
0x27: {  	s1 =	sld [smem:$0x3FAF]  }
0x28: {  	s2 =	sld [smem:$0x3FB0]  }
0x29: {  	s4 =	sld [smem:$0x3FB2]  }
0x2a: {  	p0 =	seq.s32 s5, $0x0;
	s5 =	sld [smem:$0x3FB3]  }
0x2b: {  	s6 =	sld [smem:$0x3FB4]  }
0x2c: {  	s7 =	sld [smem:$0x3FB5]  }
0x2d: {  	s3 =	simm.s32 $0x108;
	s8 =	sld [smem:$0x3FB6]  }
0x2e: {  	s3 =	simm.s32 @!p0 $0x1082;
	s9 =	sld [smem:$0x3FB7]  }
0x2f: {  	lr =	sadd.s32 s0, s3;
	s0 =	sld [smem:$0x3FAE]  }
0x30: {  	s3 =	sld [smem:$0x3FB1]  }
0x31: {  	[smem:$0x3FBA] =	sst s10  }
0x32: {  	s10 =	sld [smem:$0x3FB8];
	_ =	sdelay $0x3  }
0x33: {  	p0 =	seq.s32 s10, $0x1;
	s10 =	sld [smem:$0x3FBA];
	_ =	sdelay $0x3  }
0x34: {  	[smem:$0x3FBA] =	sst s10  }
0x35: {  	s10 =	sld [smem:$0x3FB9];
	_ =	sdelay $0x3  }
0x36: {  	p1 =	seq.s32 s10, $0x1;
	s10 =	sld [smem:$0x3FBA];
	_ =	sdelay $0x3  }
0x37: {  	[smem:$0x3FBA] =	sst s10  }
0x38: {  	s10 =	sld [smem:$0x3FBB]  }
0x39: {  	_ = 	snop;
	(pc) =	sbr.ind lr, $3  }
0x3a: {  	_ = 	snop  }
0x3b: {  	_ = 	snop  }
0x3c: {  	p2 =	seq.s32 s10, $0x1;
	s10 =	sld [smem:$0x3FBA]  }
0x3d: {  	_ =	shalt  }
0x3e: {  	_ =	shalt  }
0x3f: {  	_ =	shalt  }
0x40: {  	_ =	shalt  }
0x41: {  	_ =	shalt  }
0x42: {  	_ =	shalt  }
0x43: {  	_ =	shalt  }
0x44: {  	_ =	shalt  }
0x45: {  	_ =	shalt  }
0x46: {  	_ =	shalt  }
0x47: {  	_ =	shalt  }
0x48: {  	_ =	shalt  }
0x49: {  	_ =	shalt  }
0x4a: {  	_ =	shalt  }
0x4b: {  	_ =	shalt  }
0x4c: {  	_ =	shalt  }
0x4d: {  	_ =	shalt  }
0x4e: {  	_ =	shalt  }
0x4f: {  	_ =	shalt  }
0x50: {  	_ =	shalt  }
0x51: {  	_ =	shalt  }
0x52: {  	_ =	shalt  }
0x53: {  	_ =	shalt  }
0x54: {  	_ =	shalt  }
0x55: {  	_ =	shalt  }
0x56: {  	_ =	shalt  }
0x57: {  	_ =	shalt  }
0x58: {  	_ =	shalt  }
0x59: {  	_ =	shalt  }
0x5a: {  	_ =	shalt  }
0x5b: {  	_ =	shalt  }
0x5c: {  	_ =	shalt  }
0x5d: {  	_ =	shalt  }
0x5e: {  	_ =	shalt  }
0x5f: {  	_ =	shalt  }
0x60: {  	_ =	shalt  }
0x61: {  	_ =	shalt  }
0x62: {  	_ =	shalt  }
0x63: {  	_ =	shalt  }
0x64: {  	_ =	shalt  }
0x65: {  	_ =	shalt  }
0x66: {  	_ =	shalt  }
0x67: {  	_ =	shalt  }
0x68: {  	_ =	shalt  }
0x69: {  	_ =	shalt  }
0x6a: {  	_ =	shalt  }
0x6b: {  	_ =	shalt  }
0x6c: {  	_ =	shalt  }
0x6d: {  	_ =	shalt  }
0x6e: {  	_ =	shalt  }
0x6f: {  	_ =	shalt  }
0x70: {  	_ =	shalt  }
0x71: {  	_ =	shalt  }
0x72: {  	_ =	shalt  }
0x73: {  	_ =	shalt  }
0x74: {  	_ =	shalt  }
0x75: {  	_ =	shalt  }
0x76: {  	_ =	shalt  }
0x77: {  	_ =	shalt  }
0x78: {  	_ =	shalt  }
0x79: {  	_ =	shalt  }
0x7a: {  	_ =	shalt  }
0x7b: {  	_ =	shalt  }
0x7c: {  	_ =	shalt  }
0x7d: {  	_ =	shalt  }
0x7e: {  	_ =	shalt  }
0x7f: {  	_ =	shalt  }
0x80: {  	_ =	shalt  }
0x81: {  	_ =	shalt  }
0x82: {  	_ =	shalt  }
0x83: {  	_ =	shalt  }
0x84: {  	_ =	shalt  }
0x85: {  	_ =	shalt  }
0x86: {  	_ =	shalt  }
0x87: {  	_ =	shalt  }
.Lfunc_end0:
.L_simem_size_0:
called_computation_lowered:
.L_overlay_start_0:
0x88: {  	s2 =	sld [smem:$0x3FD9]  }
0x89: {  	s3 =	sld [smem:$0x3FFE];
	_ =	sdelay $0x1  }
0x8a: {  	s1 =	srdreg.scid  }
0x8b: {  	s0 =	sand.u32 $0x1, s1  }
0x8c: {  	s14 =	sshll.u32 s0, $0xA;
	s2 =	sadd.s32 s3, s2  }
0x8d: {  	s2 =	sadd.s32 s2, s14  }
0x8e: {  	[smem:$0x3FC6] =	sst s2  }
0x8f: {  	_ = 	snop  }
0x90: {  	s2 =	sld [smem:$0x3FD0];
	_ =	sdelay $0x2  }
0x91: {  	s15 =	simm.s32 $0xA;
	s4 =	simm.s32 $0x10  }
0x92: {  	[smem:s4], [sflag:s15] =	dma.local [hbm:s2], $0x1  }
0x93: {  	_ =	swait.eq [sflag:s15], $0x1  }
0x94: {  	[sflag:s15] =	ssyncset.done $0x0  }
0x95: {  	s16 =	sld [smem:$0x10];
	[sflag:s15] =	ssyncadd.s32 $0xFFFFFFFF  }
0x96: {  	s17 =	sld [smem:$0x11];
	(tm) =	ssettm $0x1  }
0x97: {  	s18 =	sld [smem:$0x3FFB];
	_ =	sdelay $0x3  }
0x98: {  	_ =	strace s18  }
0x99: {  	s4 =	sld [smem:$0x3FFC];
	_ =	sdelay $0x3  }
0x9a: {  	_ =	strace s4  }
0x9b: {  	s4 =	sld [smem:$0x3FFD];
	_ =	sdelay $0x3  }
0x9c: {  	_ =	strace s4  }
0x9d: {  	_ =	strace $0x8FFFFFFF  }
0x9e: {  	s19 =	sld [smem:$0x3FDB];
	_ =	sdelay $0x1  }
0x9f: {  	s5 =	simm.s32 $_scs_section_size  }
0xa0: {  	s6 =	simm.s32 $_size__tile_overlayer_lowered;
	s7 =	simm.s32 $_tile_overlayer_lowered  }
0xa1: {  	s22 =	simm.s32 $0x1BFF;
	s21 =	sshll.u32 s7, $0x1;
	s4 =	sadd.s32 s5, s19  }
0xa2: {  	s8 =	simm.s32 $0x0;
	s20 =	sshll.u32 s6, $0x1;
	s6 =	sadd.s32 s21, s4  }
0xa3: {  	[timem:s8], [sflag:s22] =	dma.local [hbm:s6], s20  }
0xa4: {  	_ =	swait.ge [sflag:s22], s20  }
0xa5: {  	s5 =	ssub.s32 $0x0, s20;
	[sflag:s22] =	ssyncset.done $0x0  }
0xa6: {  	[sflag:s22] =	ssyncadd.s32 s5;
	_ =	sdelay $0x1  }
0xa7: {  	s23 =	simm.s32 $0x1B8B  }
0xa8: {  	_ =	swait.ge [sflag:s23], $0x1  }
0xa9: {  	[sflag:s23] =	ssyncset.done $0x0  }
0xaa: {  	s25 =	simm.s32 $0x1B8E;
	s24 =	sld [smem:$0x3FFE];
	[sflag:s23] =	ssyncadd.s32 $0xFFFFFFFF  }
0xab: {  	s26 =	simm.s32 $execute0_lowered;
	[smem:$0x3FD2] =	sst s25  }
0xac: {  	s6 =	sshll.u32 s26, $0x1;
	_ =	strace $0x80000046;
	[dreg:$0x1] =	wrdreg $0xFFFFFFFF  }
0xad: {  	s28 =	simm.s32 $_size_execute0_lowered;
	s4 =	sadd.s32 s4, s6;
	[dreg:$0x0] =	wrdreg $0x0  }
0xae: {  	s6 =	sshll.u32 s28, $0x1;
	[dreg:$0x2] =	wrdreg s4  }
0xaf: {  	[dreg:$0x3] =	wrdreg s6  }
0xb0: {  	[dreg:$0x4] =	wrdreg $0xC0  }
0xb1: {  	_ =	task [dreg:s8], $0x5FFFF  }
0xb2: {  	[dreg:$0x1] =	wrdreg $0xFFFFFFFF  }
0xb3: {  	[dreg:$0x0] =	wrdreg $0x60  }
0xb4: {  	[dreg:$0x2] =	wrdreg s24  }
0xb5: {  	[dreg:$0x3] =	wrdreg s16  }
0xb6: {  	[dreg:$0x4] =	wrdreg s17  }
0xb7: {  	[dreg:$0x5] =	wrdreg $0x9  }
0xb8: {  	_ =	task.clear_ibuf [dreg:s8], $0x6FFFF;
	_ =	strace $0x90000046  }
0xb9: {  	s29 =	simm.s32 $0x9;
	_ =	strace $0x80000048  }
0xba: {  	_ =	swait.ge [sflag:s29], $0x1  }
0xbb: {  	[sflag:s29] =	ssyncadd.s32 $0xFFFFFFFF  }
0xbc: {  	_ =	strace $0x90000048  }
0xbd: {  	_ =	sfence  }
0xbe: {  	s30 =	sld [smem:$0x0];
	_ =	sdelay $0x2  }
0xbf: {  	s31 =	sshll.u32 s1, $0xD;
	s1 =	sshrl.u32 s1, $0x2  }
0xc0: {  	s3 =	sand.u32 $0x4000, s31;
	s1 =	sadd.s32 s1, s30  }
0xc1: {  	s0 =	sor.u32 s3, s0;
	s1 =	sshll.u32 s1, $0x11  }
0xc2: {  	s0 =	sor.u32 s1, s0  }
0xc3: {  	s0 =	sadd.s32 $0x8F2B, s0  }
0xc4: {  	[sflag:s0] =	ssyncadd.remote.s32 $0x1  }
0xc5: {  	_ =	sfence.sel $0xFFFF  }
0xc6: {  	[dreg:$0x0] =	wrdreg $0xFFFFFFFF;
	(pc) =	sbr.abs _section_cstart, $3  }
0xc7: {  	[dreg:$0x1] =	wrdreg $0xFFFFFFFF  }
0xc8: {  	_ =	task.clear_ibuf [dreg:s8], $0x2FFFF;
	_ =	strace $0x9FFFFFFF  }
0xc9: {  	(tm) =	ssettm $0x7FFFFFFF  }
tec
execute0_lowered:
.L_overlay_start_1:
0x0: {  	(tag) =	ssettag $0x1  }
0x1: {  	s3 =	rddreg [dreg:$0x0]  }
0x2: {  	s4 =	rddreg [dreg:$0x1]  }
0x3: {  	s5 =	rddreg [dreg:$0x2]  }
0x4: {  	s0 =	rddreg [dreg:$0x3];
	s6 =	srdreg.scid  }
0x5: {  	s1 =	stileid.u32;
	s2 =	simm.s32 $0x0;
	s9 =	simm.s32 $0x2800  }
0x6: {  	s10 =	simm.s32 $0x0;
	s6 =	sand.u32 $0x1, s6;
	s7 =	sshll.u32 s1, $0x1  }
0x7: {  	[smem:$0x7FF] =	sst s2;
	s7 =	sor.u32 s6, s7;
	s6 =	ssub.s32 $0x2, s6  }
0x8: {  	_ =	strace $0x80000047;
	s8 =	sshll.u32 s7, $0xA;
	s31 =	sshrl.u32 s6, $0x1  }
0x9: {  	s7 =	sshll.u32 s7, $0x8;
	s3 =	sadd.s32 s8, s3;
	s6 =	ssub.s32 s6, s31  }
0xa: {  	s4 =	sadd.s32 s4, s7;
	s5 =	sadd.s32 s5, s7;
	s7 =	simm.s32 $0x1  }
0xb: {  	v0 =	vimm.s32 $0x0;
	s8 =	simm.s32 $0x2000;
	s3 =	sadd.s32 $0xE00, s3;
	s6 =	smax.u32 s6, $0x1  }
.LBB2_1:
0xc: {  	[tilespmem:s2], [sflag:$0x1] =	stream.linear.gather [hbm4b:s3+s2], $0x2000, $0x38;
	[tilespmem:$0x3000] =	vst v63  }
0xd: {  	_ =	swait.ge [sflag:s7], $0x2000  }
0xe: {  	s11 =	sand.u32 $0x70, s2;
	s12 =	sand.u32 $0x1C00, s2;
	[sflag:s7] =	ssyncset.done $0x0  }
0xf: {  	s12 =	sor.u32 s11, s12;
	[sflag:s7] =	ssyncadd.s32 $0xFFFFE000  }
0x10: {  	v1 =	vld [tilespmem:s12+$0x0]  }
0x11: {  	v2 =	vld [tilespmem:s12+$0x80];
	_ =	sdelay $0x1  }
0x12: {  	v3 =	vld [tilespmem:s12+$0x100];
	_ =	sdelay $0x1  }
0x13: {  	v4 =	vld [tilespmem:s12+$0x180]  }
0x14: {  	vm0 =	vgt.f32 v2, v1  }
0x15: {  	v5 =	vld [tilespmem:s12+$0x200];
	v6 =	vsel vm0, v2, v1  }
0x16: {  	vm1 =	vgt.f32 v3, v6  }
0x17: {  	v7 =	vld [tilespmem:s12+$0x280];
	v6 =	vsel vm1, v3, v6  }
0x18: {  	vm2 =	vgt.f32 v4, v6  }
0x19: {  	s30 =	sor.u32 s2, s2;
	v8 =	vld [tilespmem:s12+$0x300];
	v6 =	vsel vm2, v4, v6  }
0x1a: {  	s12 =	sor.u32 $0x380, s30;
	vm3 =	vgt.f32 v5, v6  }
0x1b: {  	v9 =	vld [tilespmem:s12+$0x0];
	v6 =	vsel vm3, v5, v6  }
0x1c: {  	v10 =	vsel vm0, $0x1, v0;
	vm14 =	vgt.f32 v7, v6  }
0x1d: {  	v10 =	vsel vm1, $0x2, v10;
	v6 =	vsel vm14, v7, v6  }
0x1e: {  	v10 =	vsel vm2, $0x3, v10;
	vm15 =	vgt.f32 v8, v6  }
0x1f: {  	v10 =	vsel vm3, $0x4, v10;
	v6 =	vsel vm15, v8, v6  }
0x20: {  	v10 =	vsel vm14, $0x5, v10;
	vm4 =	vgt.f32 v9, v6  }
0x21: {  	v10 =	vsel vm15, $0x6, v10;
	vm0 =	vmneg vm4  }
0x22: {  	v10 =	vnsel vm0, $0x7, v10  }
0x23: {  	vm5 =	vgt.f32 v1, $-1.000000020e+30;
	vm6 =	vne.s32 v10, $0x0  }
0x24: {  	vm1 =	vmand vm5, vm6  }
0x25: {  	v1 =	vnsel vm1, $0xF149F2CA, v1  }
0x26: {  	vm7 =	vne.s32 v10, $0x1;
	vm8 =	vgt.f32 v2, v1  }
0x27: {  	vm1 =	vmand vm7, vm8  }
0x28: {  	v1 =	vsel vm1, v2, v1  }
0x29: {  	vm9 =	vne.s32 v10, $0x2;
	vm10 =	vgt.f32 v3, v1  }
0x2a: {  	vm2 =	vmand vm9, vm10  }
0x2b: {  	v1 =	vsel vm2, v3, v1  }
0x2c: {  	vm11 =	vne.s32 v10, $0x3;
	vm4 =	vgt.f32 v4, v1  }
0x2d: {  	vm3 =	vmand vm11, vm4  }
0x2e: {  	v1 =	vsel vm3, v4, v1  }
0x2f: {  	vm12 =	vne.s32 v10, $0x4;
	vm5 =	vgt.f32 v5, v1  }
0x30: {  	vm4 =	vmand vm12, vm5  }
0x31: {  	v1 =	vsel vm4, v5, v1  }
0x32: {  	vm13 =	vne.s32 v10, $0x5;
	vm6 =	vgt.f32 v7, v1  }
0x33: {  	vm5 =	vmand vm13, vm6  }
0x34: {  	v1 =	vsel vm5, v7, v1  }
0x35: {  	vm14 =	vne.s32 v10, $0x6;
	vm7 =	vgt.f32 v8, v1  }
0x36: {  	vm6 =	vmand vm14, vm7  }
0x37: {  	v1 =	vsel vm6, v8, v1  }
0x38: {  	vm15 =	vgt.f32 v9, v1  }
0x39: {  	vm7 =	vmand vm0, vm15  }
0x3a: {  	v2 =	vsel vm0, v6, v9;
	v1 =	vsel vm7, v9, v1  }
0x3b: {  	v1 =	vsub.f32 v1, v2;
	_ =	sdelay $0x1  }
0x3c: {  	v1 =	vmul.f32 $1.442695020e+00, v1;
	_ =	sdelay $0x1  }
0x3d: {  	(erf) = vpow2.f32 v1;
	_ =	sdelay $0x8  }
0x3e: {  	v1 =	vpop (erf)  }
0x3f: {  	v2 =	vadd.f32 $1.000000000e+00, v1;
	_ =	sdelay $0x1  }
0x40: {  	(erf) = vrcp.f32 v2;
	v2 =	vsel vm1, $0x1, v0  }
0x41: {  	v2 =	vsel vm2, $0x2, v2  }
0x42: {  	v2 =	vsel vm3, $0x3, v2  }
0x43: {  	v2 =	vsel vm4, $0x4, v2  }
0x44: {  	v2 =	vsel vm5, $0x5, v2  }
0x45: {  	v2 =	vsel vm6, $0x6, v2  }
0x46: {  	s31 =	sand.u32 $0x700, s2;
	v2 =	vsel vm7, $0x7, v2  }
0x47: {  	s17 =	sor.u32 s11, s31  }
0x48: {  	[tilespmem:s17+$0x2800] =	vst v10  }
0x49: {  	s13 =	simm.s32 $0x10;
	s15 =	simm.s32 $0x40;
	s16 =	simm.s32 $0x20;
	[tilespmem:s17+$0x2880] =	vst v2;
	v2 =	vpop (erf)  }
0x4a: {  	s14 =	simm.s32 $0x80;
	s11 =	sand.u32 $0x70, s13;
	s12 =	simm.s32 $0x20;
	[tilespmem:s17+$0x2000] =	vst v2;
	v1 =	vmul.f32 v2, v1  }
.LBB2_2:
0x4b: {  	s18 =	sand.u32 $0x70, s16;
	p0 =	sne.s32 s15, $0x7E0;
	s19 =	sand.u32 $0x1C00, s14  }
0x4c: {  	s19 =	sor.u32 s11, s19;
	[tilespmem:s17+$0x2080] =	vst v1;
	s17 =	smov.u32 s15;
	s15 =	sadd.s32 $0x20, s15  }
0x4d: {  	v1 =	vld [tilespmem:s19+$0x0]  }
0x4e: {  	v2 =	vld [tilespmem:s19+$0x80]  }
0x4f: {  	v3 =	vld [tilespmem:s19+$0x100];
	_ =	sdelay $0x1  }
0x50: {  	v4 =	vld [tilespmem:s19+$0x180];
	_ =	sdelay $0x1  }
0x51: {  	v5 =	vld [tilespmem:s19+$0x200];
	vm0 =	vgt.f32 v2, v1  }
0x52: {  	v6 =	vsel vm0, v2, v1  }
0x53: {  	v7 =	vld [tilespmem:s19+$0x280];
	vm1 =	vgt.f32 v3, v6  }
0x54: {  	v6 =	vsel vm1, v3, v6  }
0x55: {  	v8 =	vld [tilespmem:s19+$0x300];
	s19 =	sor.u32 s14, s13;
	vm2 =	vgt.f32 v4, v6;
	s13 =	smov.u32 s16  }
0x56: {  	s19 =	sor.u32 $0x380, s19;
	v6 =	vsel vm2, v4, v6  }
0x57: {  	v9 =	vld [tilespmem:s19+$0x0];
	vm3 =	vgt.f32 v5, v6  }
0x58: {  	v10 =	vsel vm0, $0x1, v0;
	v6 =	vsel vm3, v5, v6  }
0x59: {  	v10 =	vsel vm1, $0x2, v10;
	vm0 =	vgt.f32 v7, v6  }
0x5a: {  	v10 =	vsel vm2, $0x3, v10;
	v6 =	vsel vm0, v7, v6  }
0x5b: {  	v10 =	vsel vm3, $0x4, v10;
	vm1 =	vgt.f32 v8, v6  }
0x5c: {  	v10 =	vsel vm0, $0x5, v10;
	v6 =	vsel vm1, v8, v6  }
0x5d: {  	v10 =	vsel vm1, $0x6, v10;
	vm0 =	vgt.f32 v9, v6  }
0x5e: {  	s19 =	sand.u32 $0x700, s12;
	s12 =	smov.u32 s17;
	vm0 =	vmneg vm0  }
0x5f: {  	s17 =	sor.u32 s11, s19;
	s11 =	smov.u32 s18;
	vm1 =	vgt.f32 v1, $-1.000000020e+30;
	v6 =	vsel vm0, v6, v9;
	v10 =	vnsel vm0, $0x7, v10  }
0x60: {  	vm2 =	vne.s32 v10, $0x0;
	[tilespmem:s17+$0x2800] =	vst v10  }
0x61: {  	vm1 =	vmand vm1, vm2  }
0x62: {  	v1 =	vnsel vm1, $0xF149F2CA, v1;
	vm1 =	vne.s32 v10, $0x1  }
0x63: {  	vm2 =	vgt.f32 v2, v1  }
0x64: {  	vm1 =	vmand vm1, vm2  }
0x65: {  	vm2 =	vne.s32 v10, $0x2;
	v1 =	vsel vm1, v2, v1  }
0x66: {  	vm3 =	vgt.f32 v3, v1  }
0x67: {  	vm2 =	vmand vm2, vm3  }
0x68: {  	vm3 =	vne.s32 v10, $0x3;
	v1 =	vsel vm2, v3, v1  }
0x69: {  	vm4 =	vgt.f32 v4, v1  }
0x6a: {  	vm3 =	vmand vm3, vm4  }
0x6b: {  	vm4 =	vne.s32 v10, $0x4;
	v1 =	vsel vm3, v4, v1  }
0x6c: {  	vm5 =	vgt.f32 v5, v1  }
0x6d: {  	v2 =	vsel vm1, $0x1, v0;
	vm1 =	vmand vm4, vm5  }
0x6e: {  	v2 =	vsel vm2, $0x2, v2;
	vm2 =	vne.s32 v10, $0x5;
	v1 =	vsel vm1, v5, v1  }
0x6f: {  	v2 =	vsel vm3, $0x3, v2;
	vm3 =	vgt.f32 v7, v1  }
0x70: {  	v2 =	vsel vm1, $0x4, v2;
	vm1 =	vmand vm2, vm3  }
0x71: {  	v1 =	vsel vm1, v7, v1;
	v2 =	vsel vm1, $0x5, v2;
	vm1 =	vne.s32 v10, $0x6  }
0x72: {  	vm2 =	vgt.f32 v8, v1  }
0x73: {  	vm1 =	vmand vm1, vm2  }
0x74: {  	v1 =	vsel vm1, v8, v1;
	v2 =	vsel vm1, $0x6, v2  }
0x75: {  	vm1 =	vgt.f32 v9, v1  }
0x76: {  	vm0 =	vmand vm0, vm1  }
0x77: {  	v1 =	vsel vm0, v9, v1;
	v2 =	vsel vm0, $0x7, v2  }
0x78: {  	v1 =	vsub.f32 v1, v6;
	[tilespmem:s17+$0x2880] =	vst v2;
	_ =	sdelay $0x1  }
0x79: {  	v1 =	vmul.f32 $1.442695020e+00, v1;
	_ =	sdelay $0x1  }
0x7a: {  	(erf) = vpow2.f32 v1;
	_ =	sdelay $0x8  }
0x7b: {  	v1 =	vpop (erf)  }
0x7c: {  	v2 =	vadd.f32 $1.000000000e+00, v1;
	_ =	sdelay $0x1  }
0x7d: {  	(erf) = vrcp.f32 v2;
	_ =	sdelay $0x5  }
.Ltmp0:
0x7e: {  	(pc) =	sbr.rel @p0 .LBB2_2-.Ltmp0, $3  }
0x7f: {  	_ =	sdelay $0x1  }
0x80: {  	v2 =	vpop (erf)  }
0x81: {  	s16 =	sadd.s32 $0x10, s16;
	s14 =	sadd.s32 $0x80, s14;
	[tilespmem:s17+$0x2000] =	vst v2;
	v1 =	vmul.f32 v2, v1  }
0x82: {  	s15 =	sand.u32 $0x1C00, s14  }
0x83: {  	s15 =	sor.u32 s11, s15;
	[tilespmem:s17+$0x2080] =	vst v1  }
0x84: {  	v1 =	vld [tilespmem:s15+$0x0]  }
0x85: {  	v2 =	vld [tilespmem:s15+$0x80];
	_ =	sdelay $0x1  }
0x86: {  	v3 =	vld [tilespmem:s15+$0x100];
	_ =	sdelay $0x1  }
0x87: {  	v4 =	vld [tilespmem:s15+$0x180]  }
0x88: {  	vm0 =	vgt.f32 v2, v1  }
0x89: {  	v5 =	vld [tilespmem:s15+$0x200];
	v6 =	vsel vm0, v2, v1  }
0x8a: {  	vm1 =	vgt.f32 v3, v6  }
0x8b: {  	v7 =	vld [tilespmem:s15+$0x280];
	v6 =	vsel vm1, v3, v6  }
0x8c: {  	vm2 =	vgt.f32 v4, v6  }
0x8d: {  	s13 =	sor.u32 s14, s13;
	v8 =	vld [tilespmem:s15+$0x300];
	v6 =	vsel vm2, v4, v6  }
0x8e: {  	s13 =	sor.u32 $0x380, s13;
	vm3 =	vgt.f32 v5, v6  }
0x8f: {  	v9 =	vld [tilespmem:s13+$0x0];
	v6 =	vsel vm3, v5, v6  }
0x90: {  	v10 =	vsel vm0, $0x1, v0;
	vm14 =	vgt.f32 v7, v6  }
0x91: {  	v10 =	vsel vm1, $0x2, v10;
	v6 =	vsel vm14, v7, v6  }
0x92: {  	v10 =	vsel vm2, $0x3, v10;
	vm15 =	vgt.f32 v8, v6  }
0x93: {  	v10 =	vsel vm3, $0x4, v10;
	v6 =	vsel vm15, v8, v6  }
0x94: {  	v10 =	vsel vm14, $0x5, v10;
	vm4 =	vgt.f32 v9, v6  }
0x95: {  	v10 =	vsel vm15, $0x6, v10;
	vm0 =	vmneg vm4  }
0x96: {  	v10 =	vnsel vm0, $0x7, v10  }
0x97: {  	vm5 =	vgt.f32 v1, $-1.000000020e+30;
	vm6 =	vne.s32 v10, $0x0  }
0x98: {  	vm1 =	vmand vm5, vm6  }
0x99: {  	v1 =	vnsel vm1, $0xF149F2CA, v1  }
0x9a: {  	vm7 =	vne.s32 v10, $0x1;
	vm8 =	vgt.f32 v2, v1  }
0x9b: {  	vm1 =	vmand vm7, vm8  }
0x9c: {  	v1 =	vsel vm1, v2, v1  }
0x9d: {  	vm9 =	vne.s32 v10, $0x2;
	vm10 =	vgt.f32 v3, v1  }
0x9e: {  	vm2 =	vmand vm9, vm10  }
0x9f: {  	v1 =	vsel vm2, v3, v1  }
0xa0: {  	vm11 =	vne.s32 v10, $0x3;
	vm4 =	vgt.f32 v4, v1  }
0xa1: {  	vm3 =	vmand vm11, vm4  }
0xa2: {  	v1 =	vsel vm3, v4, v1  }
0xa3: {  	vm12 =	vne.s32 v10, $0x4;
	vm5 =	vgt.f32 v5, v1  }
0xa4: {  	vm4 =	vmand vm12, vm5  }
0xa5: {  	v1 =	vsel vm4, v5, v1  }
0xa6: {  	vm13 =	vne.s32 v10, $0x5;
	vm6 =	vgt.f32 v7, v1  }
0xa7: {  	vm5 =	vmand vm13, vm6  }
0xa8: {  	v1 =	vsel vm5, v7, v1  }
0xa9: {  	vm14 =	vne.s32 v10, $0x6;
	vm7 =	vgt.f32 v8, v1  }
0xaa: {  	vm6 =	vmand vm14, vm7  }
0xab: {  	v1 =	vsel vm6, v8, v1  }
0xac: {  	vm15 =	vgt.f32 v9, v1  }
0xad: {  	vm7 =	vmand vm0, vm15  }
0xae: {  	v2 =	vsel vm0, v6, v9;
	v1 =	vsel vm7, v9, v1  }
0xaf: {  	v1 =	vsub.f32 v1, v2;
	_ =	sdelay $0x1  }
0xb0: {  	v1 =	vmul.f32 $1.442695020e+00, v1;
	_ =	sdelay $0x1  }
0xb1: {  	(erf) = vpow2.f32 v1;
	_ =	sdelay $0x8  }
0xb2: {  	v1 =	vpop (erf)  }
0xb3: {  	v2 =	vadd.f32 $1.000000000e+00, v1;
	_ =	sdelay $0x1  }
0xb4: {  	(erf) = vrcp.f32 v2;
	_ =	sdelay $0x2  }
0xb5: {  	v2 =	vsel vm1, $0x1, v0  }
0xb6: {  	v2 =	vsel vm2, $0x2, v2  }
0xb7: {  	v2 =	vsel vm3, $0x3, v2  }
0xb8: {  	v2 =	vsel vm4, $0x4, v2  }
0xb9: {  	s12 =	sand.u32 $0x700, s12;
	v2 =	vsel vm5, $0x5, v2  }
0xba: {  	s31 =	sor.u32 s11, s12;
	v2 =	vsel vm6, $0x6, v2  }
0xbb: {  	[tilespmem:s31+$0x2800] =	vst v10;
	v2 =	vsel vm7, $0x7, v2;
	v3 =	vpop (erf)  }
0xbc: {  	[tilespmem:s31+$0x2880] =	vst v2;
	v1 =	vmul.f32 v3, v1  }
0xbd: {  	[tilespmem:s31+$0x2000] =	vst v3  }
0xbe: {  	[tilespmem:s31+$0x2080] =	vst v1  }
0xbf: {  	[hbm4b:s4+s2] =	stream.linear.scatter [tilespmem:s8], [sflag:$0x1], $0x800, $0x38;
	[tilespmem:$0x3000] =	vst v63  }
0xc0: {  	s10 =	sadd.s32 $0x1, s10;
	_ =	swait.ge [sflag:s7], $0x800  }
0xc1: {  	p0 =	sne.s32 s10, s6;
	[sflag:s7] =	ssyncset.done $0x0  }
.Ltmp1:
0xc2: {  	[sflag:s7] =	ssyncadd.s32 $0xFFFFF800;
	(pc) =	sbr.rel @p0 .LBB2_1-.Ltmp1, $4  }
0xc3: {  	[hbm4b:s5+s2] =	stream.linear.scatter [tilespmem:s9], [sflag:$0x1], $0x800, $0x38;
	[tilespmem:$0x3000] =	vst v63  }
0xc4: {  	_ =	swait.ge [sflag:s7], $0x800  }
0xc5: {  	[sflag:s7] =	ssyncset.done $0x0  }
0xc6: {  	[sflag:s7] =	ssyncadd.s32 $0xFFFFF800  }
0xc7: {  	_ =	sfence.sel $0x180000  }
0xc8: {  	[bflag:$0x0] =	sbarrier.arrive $0xFFFF  }
0xc9: {  	p0 =	sne.s32 s1, $0x0;
	_ =	strace $0x90000047  }
0xca: {  	s0 =	sadd.s32 @!p0 $0x100000, s0;
	[bflag:$0x2] =	sbarrier.arrive $0xFFFF  }
0xcb: {  	[sflag:s0] =	ssyncadd.tile.s32 @!p0 $0x1;
	_ =	shalt  }
.Lfunc_end2:
_tile_overlayer_lowered:
.L_overlay_start_2:
0xcc: {  	(tag) =	ssettag $0x2  }
0xcd: {  	s0 =	rddreg [dreg:$0x0];
	s2 =	stileid.u32  }
0xce: {  	s1 =	rddreg [dreg:$0x1];
	p0 =	sne.s32 s2, $0x0  }
0xcf: {  	s3 =	rddreg [dreg:$0x2];
	[bflag:$0x3] =	sbarrier.arrive $0xFFFF;
	s2 =	simm.s32 @!p0 $0x1C01  }
0xd0: {  	[timem:s3], [sflag:s2] =	dma.local @!p0 [hbm:s0], s1  }
0xd1: {  	s0 =	simm.s32 @!p0 $0x1  }
0xd2: {  	_ =	swait.ge @!p0 [sflag:s0], s1  }
0xd3: {  	s1 =	ssub.s32 @!p0 $0x0, s1;
	[sflag:s0] =	ssyncset.done @!p0 $0x0  }
0xd4: {  	[sflag:s0] =	ssyncadd.s32 @!p0 s1  }
0xd5: {  	[bflag:$0x3] =	sbarrier.arrive $0xFFFF  }
0xd6: {  	_ =	shalt  }

</sc_bundles>
